<compile_context>
chip_gen: v7x
topology: tpu7x:2x2x1
jax: 0.10.2.dev20260603
libtpu: 0.0.44.dev20260713+nightly
codegen_flags: <defaults>
</compile_context>

<pallas_src>
import functools

import jax
import jax.numpy as jnp
from jax import lax
from jax.experimental import pallas as pl
from jax.experimental.pallas import tpu as pltpu
from jax.experimental.pallas import tpu_sc as plsc

_N = 200000
_NC = 2
_NS = 16
_NW = _NC * _NS
_CHUNK = 6272
_LAST = 5504
_TAIL = 64
_ROW = 6400
_UNROLL = 8
_NVEC = _CHUNK // 16


def _ln1p(u):
    s = u / (2.0 + u)
    s2 = s * s
    p = 1.0 / 9.0
    p = 1.0 / 7.0 + s2 * p
    p = 1.0 / 5.0 + s2 * p
    p = 1.0 / 3.0 + s2 * p
    p = 1.0 + s2 * p
    return 2.0 * s * p


def _sc_body(ct_hbm, y_hbm, ctail_hbm, ytail_hbm, part_hbm, nl_hbm,
             c_v, y_v, nl_v, p_v, sem):
    wid = lax.axis_index("s") * _NC + lax.axis_index("c")
    zero16 = jnp.zeros((16,), jnp.float32)
    p_v[0, :] = zero16
    p_v[1, :] = zero16
    p_v[2, :] = zero16
    pltpu.sync_copy(p_v, part_hbm.at[wid])


@functools.partial(
    pl.kernel,
    out_type=(
        jax.ShapeDtypeStruct((_NW, 3, 16), jnp.float32),
        jax.ShapeDtypeStruct((_NW, 1, _ROW), jnp.float32),
    ),
    mesh=plsc.VectorSubcoreMesh(core_axis_name="c", subcore_axis_name="s"),
    scratch_types=[
        pltpu.VMEM((2, _ROW), jnp.float32),
        pltpu.VMEM((1, _ROW), jnp.int32),
        pltpu.VMEM((1, _ROW), jnp.float32),
        pltpu.VMEM((3, 16), jnp.float32),
        pltpu.SemaphoreType.DMA,
    ],
)
def _sc_pass(ct_hbm, y_hbm, ctail_hbm, ytail_hbm, part_hbm, nl_hbm,
             c_v, y_v, nl_v, p_v, sem):
    _sc_body(ct_hbm, y_hbm, ctail_hbm, ytail_hbm, part_hbm, nl_hbm,
             c_v, y_v, nl_v, p_v, sem)


def _finish_body(part_ref, nl_any, out_ref, nl_vmem, sem):
    part = part_ref[...]
    n_pos = jnp.sum(part[:, 0, :])
    pos_sum = jnp.sum(part[:, 1, :])
    neg_sum = jnp.sum(part[:, 2, :])
    n_neg = jnp.float32(_N) - n_pos

    out_ref[0] = pos_sum / n_pos + neg_sum / n_neg

    @pl.when(n_neg > 3.0 * n_pos)
    def _rare():
        copy = pltpu.make_async_copy(nl_any, nl_vmem, sem)
        copy.start()
        copy.wait()
        k = 3.0 * n_pos
        negloss = nl_vmem[...]
        bits = lax.bitcast_convert_type(negloss, jnp.int32)
        ki = k.astype(jnp.int32)
        onesf = jnp.ones_like(negloss)
        zeros = jnp.zeros_like(negloss)

        def bstep(_, lohi):
            lo, hi = lohi
            mid = (lo + hi) // 2
            cnt = jnp.sum(jnp.where(bits >= mid, onesf, zeros)).astype(
                jnp.int32)
            take = cnt >= ki
            return jnp.where(take, mid, lo), jnp.where(take, hi, mid)

        lo, _ = lax.fori_loop(0, 31, bstep,
                              (jnp.int32(0), jnp.int32(0x7F800000)))
        thr = lax.bitcast_convert_type(lo, jnp.float32)
        gt = bits > lo
        cnt_gt = jnp.sum(jnp.where(gt, onesf, zeros))
        sum_gt = jnp.sum(jnp.where(gt, negloss, zeros))
        topk_sum = sum_gt + (k - cnt_gt) * thr
        out_ref[0] = pos_sum / n_pos + topk_sum / k


@jax.jit
def _rpn_cls_loss(ct, y, ctail, ytail):
    part, nl = _sc_pass(ct, y, ctail, ytail)
    out = pl.pallas_call(
        _finish_body,
        out_shape=jax.ShapeDtypeStruct((1,), jnp.float32),
        in_specs=[
            pl.BlockSpec(memory_space=pltpu.VMEM),
            pl.BlockSpec(memory_space=pl.ANY),
        ],
        out_specs=pl.BlockSpec(memory_space=pltpu.SMEM),
        scratch_shapes=[
            pltpu.VMEM((_NW, 1, _ROW), jnp.float32),
            pltpu.SemaphoreType.DMA,
        ],
    )(part, nl)
    return out[0]


def kernel(cls, regr, refi, target_cls, target_regr, target_refi):
    ct = jnp.transpose(cls, (0, 2, 1)).reshape(2, _N)
    y = jnp.reshape(target_cls, (1, _N))
    split = _N - _TAIL
    ctail = jnp.pad(lax.slice(ct, (0, split), (2, _N)), ((0, 0), (0, 64)))
    ytail = jnp.pad(lax.slice(y, (0, split), (1, _N)), ((0, 0), (0, 64)),
                    constant_values=2)
    return _rpn_cls_loss(ct, y, ctail, ytail)

# --- scband reference (transcript-rebuilt; emitter-appended) ---
"""Pipeline reference for scband-rpn-loss-79465484911187 (READ-ONLY COPY).

The authoritative reference and input builder live on the scoring server;
editing this copy changes nothing except your own understanding.
"""

import jax, jax.numpy as jnp
import numpy as np

N = 200000

def setup_inputs(seed: int = 0) -> dict:
    key = jax.random.key(seed)
    k1, k2, k3, k4, k5, k6 = jax.random.split(key, 6)
    cls = jax.random.normal(k1, (1, N, 2), dtype=jnp.float32)
    regr = jax.random.normal(k2, (1, N, 4), dtype=jnp.float32)
    refi = jax.random.normal(k3, (1, N, 4), dtype=jnp.float32)
    target_cls = jax.random.randint(k4, (1, 1, N), 0, 2, dtype=jnp.int32)
    target_regr = jax.random.normal(k5, (1, N, 4), dtype=jnp.float32)
    target_refi = jax.random.normal(k6, (1, N, 4), dtype=jnp.float32)
    return {"cls": cls, "regr": regr, "refi": refi, "target_cls": target_cls, "target_regr": target_regr, "target_refi": target_refi}

def _cross_entropy_none(logits, labels):
    # per-element CE, matching nn.CrossEntropyLoss(reduction='none')
    logp = jax.nn.log_softmax(logits, axis=-1)
    return -jnp.take_along_axis(logp, labels[:, None].astype(jnp.int32), axis=-1)[:, 0]

def reference(cls, regr, refi, target_cls, target_regr, target_refi):
    cls_gt = target_cls[0][0]
    pos_mask = cls_gt == 1
    neg_mask = cls_gt == 0
    n_pos = jnp.sum(pos_mask)
    n_neg = jnp.sum(neg_mask)
    loss_all = _cross_entropy_none(cls[0].reshape(-1, 2), cls_gt.reshape(-1).astype(jnp.int32))
    loss_pos_sum = jnp.sum(jnp.where(pos_mask, loss_all, 0.0))
    pos_neg_ratio = 3
    k = jnp.minimum(n_neg, n_pos * pos_neg_ratio)
    neg_losses = jnp.where(neg_mask, loss_all, -jnp.inf)
    sorted_neg, _ = jax.lax.top_k(neg_losses, neg_losses.shape[0])
    idx = jnp.arange(sorted_neg.shape[0])
    loss_neg_topK_sum = jnp.sum(jnp.where(idx < k, sorted_neg, 0.0))
    loss_cls = loss_pos_sum / n_pos + loss_neg_topK_sum / k
    return loss_cls

if __name__ == "__main__":
    import jax
    _d = setup_inputs()
    print(jax.jit(kernel)(*tuple(_d.values())))

</pallas_src>

<mosaic_0001>
#map = affine_map<(d0, d1) -> (0, 0)>
#map1 = affine_map<(d0, d1) -> (0, 0, 0)>
module attributes {stable_mosaic.version = 14 : i64} {
  func.func @_sc_pass(%arg0: i32, %arg1: i32, %arg2: memref<2x200000xf32, #tpu.memory_space<hbm>>, %arg3: memref<1x200000xi32, #tpu.memory_space<hbm>>, %arg4: memref<2x128xf32, #tpu.memory_space<hbm>>, %arg5: memref<1x128xi32, #tpu.memory_space<hbm>>, %arg6: memref<32x3x16xf32, #tpu.memory_space<hbm>>, %arg7: memref<32x1x6400xf32, #tpu.memory_space<hbm>>, %arg8: memref<2x6400xf32, #tpu.memory_space<vmem>>, %arg9: memref<1x6400xi32, #tpu.memory_space<vmem>>, %arg10: memref<1x6400xf32, #tpu.memory_space<vmem>>, %arg11: memref<3x16xf32, #tpu.memory_space<vmem>>, %arg12: memref<!tpu.dma_semaphore, #tpu.memory_space<semaphore_mem>>) attributes {dimension_semantics = [#tpu.dimension_semantics<core_parallel>, #tpu.dimension_semantics<subcore_parallel>], iteration_bounds = array<i64: 2, 16>, scalar_prefetch = 0 : i64, scratch_operands = 5 : i64, tpu.core_type = #tpu.core_type<sc_vector_subcore>, window_params = [{transform_indices = #map}, {transform_indices = #map}, {transform_indices = #map}, {transform_indices = #map}, {transform_indices = #map1}, {transform_indices = #map1}]} {
    %mul3A = arith.constant 2 : i32
    %mul3A_0 = arith.muli %arg1, %mul3A : i32
    %add3A = arith.addi %mul3A_0, %arg0 : i32
    %broadcast_in_dim3A = arith.constant 0.000000e+00 : f32
    %broadcast_in_dim3A_1 = vector.broadcast %broadcast_in_dim3A : f32 to vector<16xf32>
    %swap3A = arith.constant 0 : i32
    %swap3A_2 = arith.index_cast %swap3A : i32 to index
    %swap3A_3 = arith.constant 0 : index
    %swap3A_4 = tpu.vector_load %arg11[%swap3A_2, %swap3A_3] {strides = array<i32>} : memref<3x16xf32, #tpu.memory_space<vmem>>, vector<1x16xf32>,
    %swap3A_5 = vector.shape_cast %swap3A_4 : vector<1x16xf32> to vector<16xf32>
    %swap3A_6 = vector.shape_cast %broadcast_in_dim3A_1 : vector<16xf32> to vector<1x16xf32>
    tpu.vector_store %arg11[%swap3A_2, %swap3A_3], %swap3A_6 {strides = array<i32>} : memref<3x16xf32, #tpu.memory_space<vmem>>, vector<1x16xf32>,
    %swap3A_7 = arith.constant 1 : i32
    %swap3A_8 = arith.index_cast %swap3A_7 : i32 to index
    %swap3A_9 = arith.constant 0 : index
    %swap3A_10 = tpu.vector_load %arg11[%swap3A_8, %swap3A_9] {strides = array<i32>} : memref<3x16xf32, #tpu.memory_space<vmem>>, vector<1x16xf32>,
    %swap3A_11 = vector.shape_cast %swap3A_10 : vector<1x16xf32> to vector<16xf32>
    %swap3A_12 = vector.shape_cast %broadcast_in_dim3A_1 : vector<16xf32> to vector<1x16xf32>
    tpu.vector_store %arg11[%swap3A_8, %swap3A_9], %swap3A_12 {strides = array<i32>} : memref<3x16xf32, #tpu.memory_space<vmem>>, vector<1x16xf32>,
    %swap3A_13 = arith.constant 2 : i32
    %swap3A_14 = arith.index_cast %swap3A_13 : i32 to index
    %swap3A_15 = arith.constant 0 : index
    %swap3A_16 = tpu.vector_load %arg11[%swap3A_14, %swap3A_15] {strides = array<i32>} : memref<3x16xf32, #tpu.memory_space<vmem>>, vector<1x16xf32>,
    %swap3A_17 = vector.shape_cast %swap3A_16 : vector<1x16xf32> to vector<16xf32>
    %swap3A_18 = vector.shape_cast %broadcast_in_dim3A_1 : vector<16xf32> to vector<1x16xf32>
    tpu.vector_store %arg11[%swap3A_14, %swap3A_15], %swap3A_18 {strides = array<i32>} : memref<3x16xf32, #tpu.memory_space<vmem>>, vector<1x16xf32>,
    "tpu.region"() ({
      %run_scoped3A = tpu.sem_alloc : memref<!tpu.dma_semaphore, #tpu.memory_space<semaphore_mem>>
      %dma_start3A = arith.constant 0 : i32
      %dma_start3A_19 = arith.constant 0 : i32
      %dma_start3A_20 = tpu.memref_slice %arg6[%add3A, %dma_start3A, %dma_start3A_19] : memref<32x3x16xf32, #tpu.memory_space<hbm>> -> memref<1x3x16xf32, #tpu.memory_space<hbm>>
      %dma_start3A_21 = tpu.memref_squeeze %dma_start3A_20 : memref<1x3x16xf32, #tpu.memory_space<hbm>> -> memref<3x16xf32, #tpu.memory_space<hbm>>
      %dma_start3A_22 = arith.constant 0 : i32
      %dma_start3A_23 = arith.constant 0 : i32
      %dma_start3A_24 = tpu.memref_slice %arg6[%add3A, %dma_start3A_22, %dma_start3A_23] : memref<32x3x16xf32, #tpu.memory_space<hbm>> -> memref<1x3x16xf32, #tpu.memory_space<hbm>>
      %dma_start3A_25 = tpu.memref_squeeze %dma_start3A_24 : memref<1x3x16xf32, #tpu.memory_space<hbm>> -> memref<3x16xf32, #tpu.memory_space<hbm>>
      tpu.enqueue_dma source(%arg11 : memref<3x16xf32, #tpu.memory_space<vmem>>) target(%dma_start3A_25 : memref<3x16xf32, #tpu.memory_space<hbm>>) target_semaphore(%run_scoped3A : memref<!tpu.dma_semaphore, #tpu.memory_space<semaphore_mem>>)
      %dma_wait3A = arith.constant 0 : i32
      %dma_wait3A_26 = arith.constant 0 : i32
      %dma_wait3A_27 = tpu.memref_slice %arg6[%add3A, %dma_wait3A, %dma_wait3A_26] : memref<32x3x16xf32, #tpu.memory_space<hbm>> -> memref<1x3x16xf32, #tpu.memory_space<hbm>>
      %dma_wait3A_28 = tpu.memref_squeeze %dma_wait3A_27 : memref<1x3x16xf32, #tpu.memory_space<hbm>> -> memref<3x16xf32, #tpu.memory_space<hbm>>
      %dma_wait3A_29 = arith.constant 0 : i32
      %dma_wait3A_30 = arith.constant 0 : i32
      %dma_wait3A_31 = tpu.memref_slice %arg6[%add3A, %dma_wait3A_29, %dma_wait3A_30] : memref<32x3x16xf32, #tpu.memory_space<hbm>> -> memref<1x3x16xf32, #tpu.memory_space<hbm>>
      %dma_wait3A_32 = tpu.memref_squeeze %dma_wait3A_31 : memref<1x3x16xf32, #tpu.memory_space<hbm>> -> memref<3x16xf32, #tpu.memory_space<hbm>>
      tpu.wait_dma2 semaphore(%run_scoped3A : memref<!tpu.dma_semaphore, #tpu.memory_space<semaphore_mem>>) src(%arg11 : memref<3x16xf32, #tpu.memory_space<vmem>>) dst(%dma_wait3A_32 : memref<3x16xf32, #tpu.memory_space<hbm>>)
      tpu.yield
    }) : () -> ()
    return
  }
}

module attributes {stable_mosaic.version = 14 : i64} {
  func.func @_finish_body(%arg0: memref<32x3x16xf32, #tpu.memory_space<vmem>>, %arg1: memref<32x1x6400xf32, #tpu.memory_space<any>>, %arg2: memref<1xf32, #tpu.memory_space<smem>>, %arg3: memref<32x1x6400xf32, #tpu.memory_space<vmem>>, %arg4: memref<!tpu.dma_semaphore, #tpu.memory_space<semaphore_mem>>) attributes {dimension_semantics = [], scalar_prefetch = 0 : i64, scratch_operands = 2 : i64, tpu.core_type = #tpu.core_type<tc>} {
    %get3A = arith.constant 0 : index
    %get3A_0 = arith.constant 0 : index
    %get3A_1 = arith.constant 0 : index
    %get3A_2 = vector.load %arg0[%get3A, %get3A_0, %get3A_1] : memref<32x3x16xf32, #tpu.memory_space<vmem>>, vector<32x3x16xf32>
    %slice3A = vector.extract_strided_slice %get3A_2 {offsets = [0, 0, 0], sizes = [32, 1, 16], strides = [1, 1, 1]} : vector<32x3x16xf32> to vector<32x1x16xf32>
    %squeeze3A = vector.shape_cast %slice3A : vector<32x1x16xf32> to vector<32x16xf32>
    %reduce_sum3A = vector.shape_cast %squeeze3A : vector<32x16xf32> to vector<1x32x16xf32>
    %reduce_sum3A_3 = arith.constant dense<0.000000e+00> : vector<1xf32>
    %reduce_sum3A_4 = vector.multi_reduction <add>, %reduce_sum3A, %reduce_sum3A_3 [1, 2] : vector<1x32x16xf32> to vector<1xf32>
    %reduce_sum3A_5 = vector.shape_cast %reduce_sum3A_4 : vector<1xf32> to vector<1x1x1xf32>
    %reduce_sum3A_6 = vector.extract %reduce_sum3A_5[0, 0, 0] : f32 from vector<1x1x1xf32>
    %slice3A_7 = vector.extract_strided_slice %get3A_2 {offsets = [0, 1, 0], sizes = [32, 1, 16], strides = [1, 1, 1]} : vector<32x3x16xf32> to vector<32x1x16xf32>
    %squeeze3A_8 = vector.shape_cast %slice3A_7 : vector<32x1x16xf32> to vector<32x16xf32>
    %reduce_sum3A_9 = vector.shape_cast %squeeze3A_8 : vector<32x16xf32> to vector<1x32x16xf32>
    %reduce_sum3A_10 = arith.constant dense<0.000000e+00> : vector<1xf32>
    %reduce_sum3A_11 = vector.multi_reduction <add>, %reduce_sum3A_9, %reduce_sum3A_10 [1, 2] : vector<1x32x16xf32> to vector<1xf32>
    %reduce_sum3A_12 = vector.shape_cast %reduce_sum3A_11 : vector<1xf32> to vector<1x1x1xf32>
    %reduce_sum3A_13 = vector.extract %reduce_sum3A_12[0, 0, 0] : f32 from vector<1x1x1xf32>
    %slice3A_14 = vector.extract_strided_slice %get3A_2 {offsets = [0, 2, 0], sizes = [32, 1, 16], strides = [1, 1, 1]} : vector<32x3x16xf32> to vector<32x1x16xf32>
    %squeeze3A_15 = vector.shape_cast %slice3A_14 : vector<32x1x16xf32> to vector<32x16xf32>
    %reduce_sum3A_16 = vector.shape_cast %squeeze3A_15 : vector<32x16xf32> to vector<1x32x16xf32>
    %reduce_sum3A_17 = arith.constant dense<0.000000e+00> : vector<1xf32>
    %reduce_sum3A_18 = vector.multi_reduction <add>, %reduce_sum3A_16, %reduce_sum3A_17 [1, 2] : vector<1x32x16xf32> to vector<1xf32>
    %reduce_sum3A_19 = vector.shape_cast %reduce_sum3A_18 : vector<1xf32> to vector<1x1x1xf32>
    %reduce_sum3A_20 = vector.extract %reduce_sum3A_19[0, 0, 0] : f32 from vector<1x1x1xf32>
    %sub3A = arith.constant 2.000000e+05 : f32
    %sub3A_21 = arith.subf %sub3A, %reduce_sum3A_6 : f32
    %div3A = arith.divf %reduce_sum3A_13, %reduce_sum3A_6 : f32
    %div3A_22 = arith.divf %reduce_sum3A_20, %sub3A_21 : f32
    %add3A = arith.addf %div3A, %div3A_22 : f32
    %swap3A = arith.constant 0 : index
    %swap3A_23 = memref.load %arg2[%swap3A] : memref<1xf32, #tpu.memory_space<smem>>
    memref.store %add3A, %arg2[%swap3A] : memref<1xf32, #tpu.memory_space<smem>>
    %mul3A = arith.constant 3.000000e+00 : f32
    %mul3A_24 = arith.mulf %mul3A, %reduce_sum3A_6 : f32
    %gt3A = arith.cmpf ogt, %sub3A_21, %mul3A_24 : f32
    %convert_element_type3A = arith.extui %gt3A : i1 to i32
    %cond3A = arith.constant 0 : i32
    %cond3A_25 = arith.cmpi ne, %convert_element_type3A, %cond3A : i32
    scf.if %cond3A_25 {
      tpu.enqueue_dma source(%arg1 : memref<32x1x6400xf32, #tpu.memory_space<any>>) target(%arg3 : memref<32x1x6400xf32, #tpu.memory_space<vmem>>) target_semaphore(%arg4 : memref<!tpu.dma_semaphore, #tpu.memory_space<semaphore_mem>>)
      tpu.wait_dma2 semaphore(%arg4 : memref<!tpu.dma_semaphore, #tpu.memory_space<semaphore_mem>>) src(%arg1 : memref<32x1x6400xf32, #tpu.memory_space<any>>) dst(%arg3 : memref<32x1x6400xf32, #tpu.memory_space<vmem>>)
      %mul3A_26 = arith.constant 3.000000e+00 : f32
      %mul3A_27 = arith.mulf %mul3A_26, %reduce_sum3A_6 : f32
      %get3A_28 = arith.constant 0 : index
      %get3A_29 = arith.constant 0 : index
      %get3A_30 = arith.constant 0 : index
      %get3A_31 = vector.load %arg3[%get3A_28, %get3A_29, %get3A_30] : memref<32x1x6400xf32, #tpu.memory_space<vmem>>, vector<32x1x6400xf32>
      %bitcast_convert_type3A = tpu.bitcast %get3A_31 : vector<32x1x6400xf32> -> vector<32x1x6400xi32>
      %convert_element_type3A_32 = arith.fptosi %mul3A_27 : f32 to i32
      %broadcast_in_dim3A = arith.constant 1.000000e+00 : f32
      %broadcast_in_dim3A_33 = vector.broadcast %broadcast_in_dim3A : f32 to vector<32x1x6400xf32>
      %broadcast_in_dim3A_34 = arith.constant 0.000000e+00 : f32
      %broadcast_in_dim3A_35 = vector.broadcast %broadcast_in_dim3A_34 : f32 to vector<32x1x6400xf32>
      %scan3A = arith.constant 0 : i32
      %scan3A_36 = arith.constant 2139095040 : i32
      %scan3A_37 = arith.constant 0 : i32
      %scan3A_38 = arith.constant 31 : i32
      %scan3A_39 = arith.addi %scan3A_37, %scan3A_38 : i32
      %scan3A_40 = arith.constant 1 : i32
      %scan3A_41:2 = scf.for %scan3A_64 = %scan3A_37 to %scan3A_39 step %scan3A_40 iter_args(%scan3A_65 = %scan3A, %scan3A_66 = %scan3A_36) -> (i32, i32)  : i32 {
        %add3A_67 = arith.addi %scan3A_65, %scan3A_66 : i32
        %jit3A = arith.constant 2 : i32
        %div3A_68 = arith.divsi %add3A_67, %jit3A : i32
        %sign3A = arith.constant 0 : i32
        %sign3A_69 = arith.cmpi sgt, %add3A_67, %sign3A : i32
        %sign3A_70 = arith.extui %sign3A_69 : i1 to i32
        %sign3A_71 = arith.constant 0 : i32
        %sign3A_72 = arith.cmpi slt, %add3A_67, %sign3A_71 : i32
        %sign3A_73 = arith.extui %sign3A_72 : i1 to i32
        %sign3A_74 = arith.subi %sign3A_70, %sign3A_73 : i32
        %sign3A_75 = arith.constant 0 : i32
        %sign3A_76 = arith.cmpi sgt, %jit3A, %sign3A_75 : i32
        %sign3A_77 = arith.extui %sign3A_76 : i1 to i32
        %sign3A_78 = arith.constant 0 : i32
        %sign3A_79 = arith.cmpi slt, %jit3A, %sign3A_78 : i32
        %sign3A_80 = arith.extui %sign3A_79 : i1 to i32
        %sign3A_81 = arith.subi %sign3A_77, %sign3A_80 : i32
        %ne3A = arith.cmpi ne, %sign3A_74, %sign3A_81 : i32
        %rem3A = arith.remsi %add3A_67, %jit3A : i32
        %ne3A_82 = arith.constant 0 : i32
        %ne3A_83 = arith.cmpi ne, %rem3A, %ne3A_82 : i32
        %and3A = arith.andi %ne3A, %ne3A_83 : i1
        %sub3A_84 = arith.constant 1 : i32
        %sub3A_85 = arith.subi %div3A_68, %sub3A_84 : i32
        %select_n3A_86 = arith.select %and3A, %sub3A_85, %div3A_68 : i32
        %ge3A = vector.broadcast %select_n3A_86 : i32 to vector<32x1x6400xi32>
        %ge3A_87 = arith.cmpi sge, %bitcast_convert_type3A, %ge3A : vector<32x1x6400xi32>
        %select_n3A_88 = arith.select %ge3A_87, %broadcast_in_dim3A_33, %broadcast_in_dim3A_35 : vector<32x1x6400xi1>, vector<32x1x6400xf32>
        %reduce_sum3A_89 = vector.shape_cast %select_n3A_88 : vector<32x1x6400xf32> to vector<1x32x1x6400xf32>
        %reduce_sum3A_90 = arith.constant dense<0.000000e+00> : vector<1xf32>
        %reduce_sum3A_91 = vector.multi_reduction <add>, %reduce_sum3A_89, %reduce_sum3A_90 [1, 2, 3] : vector<1x32x1x6400xf32> to vector<1xf32>
        %reduce_sum3A_92 = vector.shape_cast %reduce_sum3A_91 : vector<1xf32> to vector<1x1x1x1xf32>
        %reduce_sum3A_93 = vector.extract %reduce_sum3A_92[0, 0, 0, 0] : f32 from vector<1x1x1x1xf32>
        %convert_element_type3A_94 = arith.fptosi %reduce_sum3A_93 : f32 to i32
        %ge3A_95 = arith.cmpi sge, %convert_element_type3A_94, %convert_element_type3A_32 : i32
        %select_n3A_96 = arith.select %ge3A_95, %select_n3A_86, %scan3A_65 : i32
        %select_n3A_97 = arith.select %ge3A_95, %scan3A_66, %select_n3A_86 : i32
        scf.yield %select_n3A_96, %select_n3A_97 : i32, i32
      }
      %bitcast_convert_type3A_42 = arith.bitcast %scan3A_41#0 : i32 to f32
      %gt3A_43 = vector.broadcast %scan3A_41#0 : i32 to vector<32x1x6400xi32>
      %gt3A_44 = arith.cmpi sgt, %bitcast_convert_type3A, %gt3A_43 : vector<32x1x6400xi32>
      %select_n3A = arith.select %gt3A_44, %broadcast_in_dim3A_33, %broadcast_in_dim3A_35 : vector<32x1x6400xi1>, vector<32x1x6400xf32>
      %reduce_sum3A_45 = vector.shape_cast %select_n3A : vector<32x1x6400xf32> to vector<1x32x1x6400xf32>
      %reduce_sum3A_46 = arith.constant dense<0.000000e+00> : vector<1xf32>
      %reduce_sum3A_47 = vector.multi_reduction <add>, %reduce_sum3A_45, %reduce_sum3A_46 [1, 2, 3] : vector<1x32x1x6400xf32> to vector<1xf32>
      %reduce_sum3A_48 = vector.shape_cast %reduce_sum3A_47 : vector<1xf32> to vector<1x1x1x1xf32>
      %reduce_sum3A_49 = vector.extract %reduce_sum3A_48[0, 0, 0, 0] : f32 from vector<1x1x1x1xf32>
      %select_n3A_50 = arith.select %gt3A_44, %get3A_31, %broadcast_in_dim3A_35 : vector<32x1x6400xi1>, vector<32x1x6400xf32>
      %reduce_sum3A_51 = vector.shape_cast %select_n3A_50 : vector<32x1x6400xf32> to vector<1x32x1x6400xf32>
      %reduce_sum3A_52 = arith.constant dense<0.000000e+00> : vector<1xf32>
      %reduce_sum3A_53 = vector.multi_reduction <add>, %reduce_sum3A_51, %reduce_sum3A_52 [1, 2, 3] : vector<1x32x1x6400xf32> to vector<1xf32>
      %reduce_sum3A_54 = vector.shape_cast %reduce_sum3A_53 : vector<1xf32> to vector<1x1x1x1xf32>
      %reduce_sum3A_55 = vector.extract %reduce_sum3A_54[0, 0, 0, 0] : f32 from vector<1x1x1x1xf32>
      %sub3A_56 = arith.subf %mul3A_27, %reduce_sum3A_49 : f32
      %mul3A_57 = arith.mulf %sub3A_56, %bitcast_convert_type3A_42 : f32
      %add3A_58 = arith.addf %reduce_sum3A_55, %mul3A_57 : f32
      %div3A_59 = arith.divf %reduce_sum3A_13, %reduce_sum3A_6 : f32
      %div3A_60 = arith.divf %add3A_58, %mul3A_27 : f32
      %add3A_61 = arith.addf %div3A_59, %div3A_60 : f32
      %swap3A_62 = arith.constant 0 : index
      %swap3A_63 = memref.load %arg2[%swap3A_62] : memref<1xf32, #tpu.memory_space<smem>>
      memref.store %add3A_61, %arg2[%swap3A_62] : memref<1xf32, #tpu.memory_space<smem>>
    } else {
    }
    return
  }
}

</mosaic_0001>

<sc_bundles>
// kernel: _rpn_cls_loss.4.cloned.1.call-start
scs
__scs_entry_jumppad:
0x0: {  	(pc) =	sbr.rel $0x88, $3  }
0x1: {  	(tag) =	ssettag $0x0;
	lr =	simm.s32 $0x1  }
0x2: {  	[smem:$0x3F9D] =	sst lr;
	_ =	strace $0xD0000000  }
0x3: {  	_ = 	snop  }
0x4: {  	_ = 	snop  }
0x5: {  	_ = 	snop  }
0x6: {  	_ = 	snop  }
0x7: {  	_ = 	snop  }
__scs_overlays_trampoline_lowered:
0x8: {  	[smem:$0x3FAC] =	sst s0  }
0x9: {  	[smem:$0x3FAD] =	sst s1  }
0xa: {  	[smem:$0x3FAE] =	sst s2  }
0xb: {  	[smem:$0x3FAF] =	sst s3  }
0xc: {  	[smem:$0x3FB0] =	sst s4  }
0xd: {  	[smem:$0x3FB1] =	sst s5  }
0xe: {  	[smem:$0x3FB2] =	sst s6  }
0xf: {  	[smem:$0x3FB3] =	sst s7  }
0x10: {  	[smem:$0x3FB4] =	sst s8  }
0x11: {  	[smem:$0x3FB5] =	sst s9;
	s0 =	simm.s32 @!p0 $0x0  }
0x12: {  	s1 =	sld [smem:$0x3F9B];
	s0 =	simm.s32 @p0 $0x1  }
0x13: {  	[smem:$0x3FB6] =	sst s0;
	s0 =	simm.s32 @!p1 $0x0  }
0x14: {  	s2 =	sld [smem:$0x3F9A];
	s0 =	simm.s32 @p1 $0x1  }
0x15: {  	[smem:$0x3FB7] =	sst s0;
	s0 =	simm.s32 @!p2 $0x0  }
0x16: {  	s3 =	sld [smem:$0x3FDB];
	s0 =	simm.s32 @p2 $0x1  }
0x17: {  	s4 =	simm.s32 $0x1BF5;
	[smem:$0x3FB9] =	sst s0  }
0x18: {  	s0 =	sld [smem:$0x3F9C];
	_ =	swait.ge [sflag:s4], $0x0  }
0x19: {  	s7 =	sld [smem:$0x3F9D]  }
0x1a: {  	s8 =	sadd.s32 $0xFFFFE003, lr  }
0x1b: {  	s9 =	sadd.s32 $0xFFFFFEF7, lr;
	s5 =	simm.s32 $0xFFFFFFFF;
	p2 =	slt.u32 s8, $0xFFFFF086  }
0x1c: {  	p1 =	slt.u32 s9, $0xF7A;
	s5 =	simm.s32 @!p2 $0x0  }
0x1d: {  	s5 =	simm.s32 @p1 $0x1;
	p0 =	seq.s32 s7, s2  }
0x1e: {  	s7 =	smul.u32 @!p0 $0xF7A, s2;
	p2 =	seq.s32 @!p0 s5, $0x0  }
0x1f: {  	s9 =	smul.u32 $0xF7A, s1;
	s8 =	simm.s32 @!p0 $0x1BF5;
	p2 =	por !p2, p0  }
0x20: {  	[sflag:s8] =	ssyncset.s32 @!p0 $0xFFFFF086;
	s6 =	sadd.s32 @!p0 s3, s7;
	s7 =	simm.s32 @!p0 $0x108  }
0x21: {  	s3 =	sadd.s32 s3, s9;
	s6 =	sadd.s32 @!p0 $0x88, s6;
	s7 =	simm.s32 @p2 $0x1082  }
0x22: {  	[simem:s7], [sflag:s8] =	dma.local @!p0 [hbm:s6], $0xF7A  }
0x23: {  	s9 =	sor.u32 $0xD0000000, s2;
	s6 =	simm.s32 $0x108;
	_ =	swait.ge @!p0 [sflag:s8], $0x0  }
0x24: {  	s3 =	sadd.s32 $0x88, s3;
	s6 =	simm.s32 @!p1 $0x1082;
	[sflag:s4] =	ssyncset.s32 $0xFFFFF086  }
0x25: {  	[simem:s6], [sflag:s4] =	dma.local [hbm:s3], $0xF7A  }
0x26: {  	[smem:$0x3F9D] =	sst s1;
	(tag) =	ssettag s2;
	_ =	strace s9  }
0x27: {  	s1 =	sld [smem:$0x3FAD]  }
0x28: {  	s2 =	sld [smem:$0x3FAE]  }
0x29: {  	s4 =	sld [smem:$0x3FB0]  }
0x2a: {  	p0 =	seq.s32 s5, $0x0;
	s5 =	sld [smem:$0x3FB1]  }
0x2b: {  	s6 =	sld [smem:$0x3FB2]  }
0x2c: {  	s7 =	sld [smem:$0x3FB3]  }
0x2d: {  	s3 =	simm.s32 $0x108;
	s8 =	sld [smem:$0x3FB4]  }
0x2e: {  	s3 =	simm.s32 @!p0 $0x1082;
	s9 =	sld [smem:$0x3FB5]  }
0x2f: {  	lr =	sadd.s32 s0, s3;
	s0 =	sld [smem:$0x3FAC]  }
0x30: {  	s3 =	sld [smem:$0x3FAF]  }
0x31: {  	[smem:$0x3FB8] =	sst s10  }
0x32: {  	s10 =	sld [smem:$0x3FB6];
	_ =	sdelay $0x3  }
0x33: {  	p0 =	seq.s32 s10, $0x1;
	s10 =	sld [smem:$0x3FB8];
	_ =	sdelay $0x3  }
0x34: {  	[smem:$0x3FB8] =	sst s10  }
0x35: {  	s10 =	sld [smem:$0x3FB7];
	_ =	sdelay $0x3  }
0x36: {  	p1 =	seq.s32 s10, $0x1;
	s10 =	sld [smem:$0x3FB8];
	_ =	sdelay $0x3  }
0x37: {  	[smem:$0x3FB8] =	sst s10  }
0x38: {  	s10 =	sld [smem:$0x3FB9]  }
0x39: {  	_ = 	snop;
	(pc) =	sbr.ind lr, $3  }
0x3a: {  	_ = 	snop  }
0x3b: {  	_ = 	snop  }
0x3c: {  	p2 =	seq.s32 s10, $0x1;
	s10 =	sld [smem:$0x3FB8]  }
0x3d: {  	_ =	shalt  }
0x3e: {  	_ =	shalt  }
0x3f: {  	_ =	shalt  }
0x40: {  	_ =	shalt  }
0x41: {  	_ =	shalt  }
0x42: {  	_ =	shalt  }
0x43: {  	_ =	shalt  }
0x44: {  	_ =	shalt  }
0x45: {  	_ =	shalt  }
0x46: {  	_ =	shalt  }
0x47: {  	_ =	shalt  }
0x48: {  	_ =	shalt  }
0x49: {  	_ =	shalt  }
0x4a: {  	_ =	shalt  }
0x4b: {  	_ =	shalt  }
0x4c: {  	_ =	shalt  }
0x4d: {  	_ =	shalt  }
0x4e: {  	_ =	shalt  }
0x4f: {  	_ =	shalt  }
0x50: {  	_ =	shalt  }
0x51: {  	_ =	shalt  }
0x52: {  	_ =	shalt  }
0x53: {  	_ =	shalt  }
0x54: {  	_ =	shalt  }
0x55: {  	_ =	shalt  }
0x56: {  	_ =	shalt  }
0x57: {  	_ =	shalt  }
0x58: {  	_ =	shalt  }
0x59: {  	_ =	shalt  }
0x5a: {  	_ =	shalt  }
0x5b: {  	_ =	shalt  }
0x5c: {  	_ =	shalt  }
0x5d: {  	_ =	shalt  }
0x5e: {  	_ =	shalt  }
0x5f: {  	_ =	shalt  }
0x60: {  	_ =	shalt  }
0x61: {  	_ =	shalt  }
0x62: {  	_ =	shalt  }
0x63: {  	_ =	shalt  }
0x64: {  	_ =	shalt  }
0x65: {  	_ =	shalt  }
0x66: {  	_ =	shalt  }
0x67: {  	_ =	shalt  }
0x68: {  	_ =	shalt  }
0x69: {  	_ =	shalt  }
0x6a: {  	_ =	shalt  }
0x6b: {  	_ =	shalt  }
0x6c: {  	_ =	shalt  }
0x6d: {  	_ =	shalt  }
0x6e: {  	_ =	shalt  }
0x6f: {  	_ =	shalt  }
0x70: {  	_ =	shalt  }
0x71: {  	_ =	shalt  }
0x72: {  	_ =	shalt  }
0x73: {  	_ =	shalt  }
0x74: {  	_ =	shalt  }
0x75: {  	_ =	shalt  }
0x76: {  	_ =	shalt  }
0x77: {  	_ =	shalt  }
0x78: {  	_ =	shalt  }
0x79: {  	_ =	shalt  }
0x7a: {  	_ =	shalt  }
0x7b: {  	_ =	shalt  }
0x7c: {  	_ =	shalt  }
0x7d: {  	_ =	shalt  }
0x7e: {  	_ =	shalt  }
0x7f: {  	_ =	shalt  }
0x80: {  	_ =	shalt  }
0x81: {  	_ =	shalt  }
0x82: {  	_ =	shalt  }
0x83: {  	_ =	shalt  }
0x84: {  	_ =	shalt  }
0x85: {  	_ =	shalt  }
0x86: {  	_ =	shalt  }
0x87: {  	_ =	shalt  }
.Lfunc_end0:
.L_simem_size_0:
called_computation_lowered:
.L_overlay_start_0:
0x88: {  	s2 =	sld [smem:$0x3FD9]  }
0x89: {  	s3 =	sld [smem:$0x3FFE];
	_ =	sdelay $0x1  }
0x8a: {  	s1 =	srdreg.scid  }
0x8b: {  	s0 =	sand.u32 $0x1, s1  }
0x8c: {  	s16 =	sshll.u32 s0, $0xA;
	s2 =	sadd.s32 s3, s2  }
0x8d: {  	s2 =	sadd.s32 s2, s16  }
0x8e: {  	[smem:$0x3FC4] =	sst s2  }
0x8f: {  	_ = 	snop  }
0x90: {  	(tm) =	ssettm $0x1  }
0x91: {  	s17 =	sld [smem:$0x3FFB];
	_ =	sdelay $0x3  }
0x92: {  	_ =	strace s17  }
0x93: {  	s2 =	sld [smem:$0x3FFC];
	_ =	sdelay $0x3  }
0x94: {  	_ =	strace s2  }
0x95: {  	s2 =	sld [smem:$0x3FFD];
	_ =	sdelay $0x3  }
0x96: {  	_ =	strace s2  }
0x97: {  	_ =	strace $0x8FFFFFFF  }
0x98: {  	s18 =	sld [smem:$0x3FDB];
	_ =	sdelay $0x1  }
0x99: {  	s19 =	simm.s32 $_scs_section_size  }
0x9a: {  	s4 =	simm.s32 $_size__tile_overlayer_lowered;
	s5 =	simm.s32 $_tile_overlayer_lowered  }
0x9b: {  	s22 =	simm.s32 $0x1BFF;
	s21 =	sshll.u32 s5, $0x1;
	s2 =	sadd.s32 s19, s18  }
0x9c: {  	s6 =	simm.s32 $0x0;
	s20 =	sshll.u32 s4, $0x1;
	s4 =	sadd.s32 s21, s2  }
0x9d: {  	[timem:s6], [sflag:s22] =	dma.local [hbm:s4], s20  }
0x9e: {  	_ =	swait.ge [sflag:s22], s20  }
0x9f: {  	s3 =	ssub.s32 $0x0, s20;
	[sflag:s22] =	ssyncset.done $0x0  }
0xa0: {  	[sflag:s22] =	ssyncadd.s32 s3;
	_ =	sdelay $0x1  }
0xa1: {  	s23 =	simm.s32 $0x1B8B  }
0xa2: {  	_ =	swait.ge [sflag:s23], $0x1  }
0xa3: {  	[sflag:s23] =	ssyncset.done $0x0  }
0xa4: {  	s25 =	simm.s32 $0x1B8E;
	s24 =	sld [smem:$0x3FFE];
	[sflag:s23] =	ssyncadd.s32 $0xFFFFFFFF  }
0xa5: {  	s26 =	simm.s32 $execute0_lowered;
	[smem:$0x3FD2] =	sst s25  }
0xa6: {  	s4 =	sshll.u32 s26, $0x1;
	_ =	strace $0x80000046;
	[dreg:$0x1] =	wrdreg $0xFFFFFFFF  }
0xa7: {  	s28 =	simm.s32 $_size_execute0_lowered;
	s2 =	sadd.s32 s2, s4;
	[dreg:$0x0] =	wrdreg $0x0  }
0xa8: {  	s4 =	sshll.u32 s28, $0x1;
	[dreg:$0x2] =	wrdreg s2  }
0xa9: {  	[dreg:$0x3] =	wrdreg s4  }
0xaa: {  	[dreg:$0x4] =	wrdreg $0xC0  }
0xab: {  	_ =	task [dreg:s6], $0x5FFFF  }
0xac: {  	[dreg:$0x1] =	wrdreg $0xFFFFFFFF  }
0xad: {  	[dreg:$0x0] =	wrdreg $0x60  }
0xae: {  	[dreg:$0x2] =	wrdreg s24  }
0xaf: {  	[dreg:$0x3] =	wrdreg $0x9  }
0xb0: {  	_ =	task.clear_ibuf [dreg:s6], $0x4FFFF;
	_ =	strace $0x90000046  }
0xb1: {  	s29 =	simm.s32 $0x9;
	_ =	strace $0x80000048  }
0xb2: {  	_ =	swait.ge [sflag:s29], $0x1  }
0xb3: {  	[sflag:s29] =	ssyncadd.s32 $0xFFFFFFFF  }
0xb4: {  	_ =	strace $0x90000048  }
0xb5: {  	_ =	sfence  }
0xb6: {  	s30 =	sld [smem:$0x0];
	_ =	sdelay $0x2  }
0xb7: {  	s31 =	sshll.u32 s1, $0xD;
	s1 =	sshrl.u32 s1, $0x2  }
0xb8: {  	s3 =	sand.u32 $0x4000, s31;
	s1 =	sadd.s32 s1, s30  }
0xb9: {  	s0 =	sor.u32 s3, s0;
	s1 =	sshll.u32 s1, $0x11  }
0xba: {  	s0 =	sor.u32 s1, s0  }
0xbb: {  	s0 =	sadd.s32 $0x8F2B, s0  }
0xbc: {  	[sflag:s0] =	ssyncadd.remote.s32 $0x1  }
0xbd: {  	_ =	sfence.sel $0xFFFF  }
0xbe: {  	[dreg:$0x0] =	wrdreg $0xFFFFFFFF;
	(pc) =	sbr.abs _section_cstart, $3  }
0xbf: {  	[dreg:$0x1] =	wrdreg $0xFFFFFFFF  }
0xc0: {  	_ =	task.clear_ibuf [dreg:s6], $0x2FFFF;
	_ =	strace $0x9FFFFFFF  }
0xc1: {  	(tm) =	ssettm $0x7FFFFFFF  }
tec
execute0_lowered:
.L_overlay_start_1:
0x0: {  	(tag) =	ssettag $0x1  }
0x1: {  	s2 =	srdreg.scid  }
0x2: {  	s4 =	sand.u32 $0x1, s2  }
0x3: {  	s3 =	rddreg [dreg:$0x0];
	s5 =	sshll.u32 s4, $0x6;
	s4 =	ssub.s32 $0x2, s4  }
0x4: {  	s0 =	rddreg [dreg:$0x1];
	s1 =	simm.s32 $0x0;
	s31 =	sshrl.u32 s4, $0x1  }
0x5: {  	[smem:$0x7FF] =	sst s1;
	s4 =	ssub.s32 s4, s31  }
0x6: {  	v0 =	vimm.f32 $0.0e+00;
	s2 =	stileid.u32;
	s3 =	sadd.s32 s5, s3;
	s5 =	smax.u32 s4, $0x1  }
0x7: {  	_ =	strace $0x80000047;
	s6 =	sshll.u32 s2, $0x7;
	[tilespmem:$0x100] =	vst v0;
	p0 =	sne.s32 s5, $0x1  }
.Ltmp0:
0x8: {  	[tilespmem:$0x0] =	vst v0;
	s3 =	sadd.s32 s6, s3;
	(pc) =	sbr.rel @!p0 .LBB2_2-.Ltmp0, $4  }
0x9: {  	[tilespmem:$0x80] =	vst v0;
	s3 =	sadd.s32 $0x7000, s3;
	s4 =	simm.s32 $0x1  }
0xa: {  	[hbm4b:s3+s1] =	stream.linear.scatter [tilespmem:s1], [sflag:$0x1], $0x180, $0x38;
	[tilespmem:$0x200] =	vst v63  }
0xb: {  	_ =	swait.ge [sflag:s4], $0x180  }
0xc: {  	s5 =	sadd.s32 $0xFFFFFFFF, s5;
	[sflag:s4] =	ssyncset.done $0x0  }
.LBB2_1:
0xd: {  	p0 =	sne.s32 s5, $0x1;
	s5 =	sadd.s32 $0xFFFFFFFF, s5;
	[sflag:s4] =	ssyncadd.s32 $0xFFFFFE80  }
0xe: {  	[tilespmem:$0x100] =	vst v0  }
.Ltmp1:
0xf: {  	[tilespmem:$0x0] =	vst v0;
	(pc) =	sbr.rel @p0 .LBB2_1-.Ltmp1, $4  }
0x10: {  	[tilespmem:$0x80] =	vst v0  }
0x11: {  	[hbm4b:s3+s1] =	stream.linear.scatter [tilespmem:s1], [sflag:$0x1], $0x180, $0x38;
	[tilespmem:$0x200] =	vst v63  }
0x12: {  	_ =	swait.ge [sflag:s4], $0x180  }
0x13: {  	[sflag:s4] =	ssyncset.done $0x0  }
.LBB2_2:
0x14: {  	[sflag:s4] =	ssyncadd.s32 $0xFFFFFE80  }
0x15: {  	_ =	sfence.sel $0x180000  }
0x16: {  	[bflag:$0x0] =	sbarrier.arrive $0xFFFF  }
0x17: {  	p0 =	sne.s32 s2, $0x0;
	_ =	strace $0x90000047  }
0x18: {  	s0 =	sadd.s32 @!p0 $0x100000, s0;
	[bflag:$0x2] =	sbarrier.arrive $0xFFFF  }
0x19: {  	[sflag:s0] =	ssyncadd.tile.s32 @!p0 $0x1;
	_ =	shalt  }
.Lfunc_end2:
_tile_overlayer_lowered:
.L_overlay_start_2:
0x1a: {  	(tag) =	ssettag $0x2  }
0x1b: {  	s0 =	rddreg [dreg:$0x0];
	s2 =	stileid.u32  }
0x1c: {  	s1 =	rddreg [dreg:$0x1];
	p0 =	sne.s32 s2, $0x0  }
0x1d: {  	s3 =	rddreg [dreg:$0x2];
	[bflag:$0x3] =	sbarrier.arrive $0xFFFF;
	s2 =	simm.s32 @!p0 $0x1C01  }
0x1e: {  	[timem:s3], [sflag:s2] =	dma.local @!p0 [hbm:s0], s1  }
0x1f: {  	s0 =	simm.s32 @!p0 $0x1  }
0x20: {  	_ =	swait.ge @!p0 [sflag:s0], s1  }
0x21: {  	s1 =	ssub.s32 @!p0 $0x0, s1;
	[sflag:s0] =	ssyncset.done @!p0 $0x0  }
0x22: {  	[sflag:s0] =	ssyncadd.s32 @!p0 s1  }
0x23: {  	[bflag:$0x3] =	sbarrier.arrive $0xFFFF  }
0x24: {  	_ =	shalt  }

</sc_bundles>
